<compile_context>
chip_gen: v7x
topology: tpu7x:2x2x1
jax: 0.10.2.dev20260603
libtpu: 0.0.44.dev20260713+nightly
codegen_flags: <defaults>
</compile_context>

<pallas_src>
import functools

import jax
import jax.numpy as jnp
from jax import lax
from jax.experimental import pallas as pl
from jax.experimental.pallas import tpu as pltpu
from jax.experimental.pallas import tpu_sc as plsc

_IDXW = 128
_NPAIR = 3


@functools.lru_cache(maxsize=None)
def _build(num_tokens: int, dim: int):
    info = plsc.get_sparse_core_info()
    nw = info.num_cores * info.num_subcores
    b_per_w = num_tokens // nw
    n_chunks = b_per_w // _IDXW
    n_pairs = n_chunks // 2
    assert n_pairs * 2 * _IDXW * nw == num_tokens and n_pairs >= _NPAIR + 1
    mesh = plsc.VectorSubcoreMesh(core_axis_name="c", subcore_axis_name="s")

    @functools.partial(
        pl.kernel,
        mesh=mesh,
        out_type=jax.ShapeDtypeStruct((num_tokens, dim), jnp.float32),
        scratch_types=[
            pltpu.VMEM((n_chunks, _IDXW), jnp.int32),
            pltpu.VMEM((_NPAIR, 2 * _IDXW, dim), jnp.float32),
            pltpu.SemaphoreType.DMA,
            pltpu.SemaphoreType.DMA,
        ],
    )
    def gather_kernel(idx_hbm, table_hbm, out_hbm, idx_v, rows_v, gsem, ssem):
        wid = lax.axis_index("s") * info.num_cores + lax.axis_index("c")
        base = wid * b_per_w
        pltpu.sync_copy(idx_hbm.at[wid], idx_v)

        for k in range(4):
            pltpu.async_copy(
                table_hbm.at[idx_v.at[k]],
                rows_v.at[k // 2, pl.ds((k % 2) * _IDXW, _IDXW)],
                gsem,
            )

        def body(p, _):
            pair = lax.rem(p, _NPAIR)
            for k in range(2):
                pltpu.make_async_copy(
                    table_hbm.at[idx_v.at[2 * p + k]],
                    rows_v.at[pair, pl.ds(k * _IDXW, _IDXW)],
                    gsem,
                ).wait()
            pltpu.async_copy(
                rows_v.at[pair],
                out_hbm.at[pl.ds(base + p * 2 * _IDXW, 2 * _IDXW)],
                ssem,
            )
            q = p + _NPAIR - 1

            @pl.when(jnp.logical_and(p >= 1, q < n_pairs))
            def _():
                pltpu.make_async_copy(
                    rows_v.at[0], out_hbm.at[pl.ds(base, 2 * _IDXW)], ssem
                ).wait()

            @pl.when(q < n_pairs)
            def _():
                for k in range(2):
                    pltpu.async_copy(
                        table_hbm.at[idx_v.at[2 * q + k]],
                        rows_v.at[lax.rem(q, _NPAIR), pl.ds(k * _IDXW, _IDXW)],
                        gsem,
                    )

            return 0

        lax.fori_loop(0, n_pairs, body, 0)
        for _ in range(_NPAIR):
            pltpu.make_async_copy(
                rows_v.at[0], out_hbm.at[pl.ds(base, 2 * _IDXW)], ssem
            ).wait()

    return gather_kernel


def kernel(token_ids, weight):
    b, s = token_ids.shape
    num_tokens = b * s
    dim = weight.shape[1]
    info = plsc.get_sparse_core_info()
    nw = info.num_cores * info.num_subcores
    idx = jnp.asarray(token_ids, jnp.int32).T.reshape(
        nw, num_tokens // (nw * _IDXW), _IDXW
    )
    out = _build(num_tokens, dim)(idx, weight)
    return out.reshape(s, b, dim).transpose(1, 0, 2)

# --- scband reference (transcript-rebuilt; emitter-appended) ---
"""Pipeline reference for scband-embedding-1142461301090 (READ-ONLY COPY).

The authoritative reference and input builder live on the scoring server;
editing this copy changes nothing except your own understanding.
"""

import jax, jax.numpy as jnp
import numpy as np

NUM_EMBEDDINGS = 100000
EMBEDDING_DIM = 128

def setup_inputs(seed: int = 0) -> dict:
    key = jax.random.key(seed)
    k1, k2 = jax.random.split(key)
    token_ids = jax.random.randint(k1, (4096, 50), 0, NUM_EMBEDDINGS, dtype=jnp.int64 if jax.config.jax_enable_x64 else jnp.int32)
    # trunc_normal_ with std=1.0, clipped to [-3, 3]
    weight = jax.random.truncated_normal(k2, -3.0, 3.0, (NUM_EMBEDDINGS, EMBEDDING_DIM), dtype=jnp.float32)
    return {"token_ids": token_ids, "weight": weight}

def reference(token_ids, weight):
    # weight[token_ids]: gather rows of the embedding table
    return jnp.take(weight, token_ids, axis=0)

if __name__ == "__main__":
    import jax
    _d = setup_inputs()
    print(jax.jit(kernel)(*tuple(_d.values())))

</pallas_src>

<mosaic_0001>
#map = affine_map<(d0, d1) -> (0, 0, 0)>
#map1 = affine_map<(d0, d1) -> (0, 0)>
module attributes {stable_mosaic.version = 14 : i64} {
  func.func @gather_kernel(%arg0: i32, %arg1: i32, %arg2: memref<32x50x128xi32, #tpu.memory_space<hbm>>, %arg3: memref<100000x128xf32, #tpu.memory_space<hbm>>, %arg4: memref<204800x128xf32, #tpu.memory_space<hbm>>, %arg5: memref<50x128xi32, #tpu.memory_space<vmem>>, %arg6: memref<3x256x128xf32, #tpu.memory_space<vmem>>, %arg7: memref<!tpu.dma_semaphore, #tpu.memory_space<semaphore_mem>>, %arg8: memref<!tpu.dma_semaphore, #tpu.memory_space<semaphore_mem>>) attributes {dimension_semantics = [#tpu.dimension_semantics<core_parallel>, #tpu.dimension_semantics<subcore_parallel>], iteration_bounds = array<i64: 2, 16>, scalar_prefetch = 0 : i64, scratch_operands = 4 : i64, tpu.core_type = #tpu.core_type<sc_vector_subcore>, window_params = [{transform_indices = #map}, {transform_indices = #map1}, {transform_indices = #map1}]} {
    %mul3A = arith.constant 2 : i32
    %mul3A_0 = arith.muli %arg1, %mul3A : i32
    %add3A = arith.addi %mul3A_0, %arg0 : i32
    %mul3A_1 = arith.constant 6400 : i32
    %mul3A_2 = arith.muli %add3A, %mul3A_1 : i32
    "tpu.region"() ({
      %run_scoped3A = tpu.sem_alloc : memref<!tpu.dma_semaphore, #tpu.memory_space<semaphore_mem>>
      %dma_start3A_94 = arith.constant 0 : i32
      %dma_start3A_95 = arith.constant 0 : i32
      %dma_start3A_96 = tpu.memref_slice %arg2[%add3A, %dma_start3A_94, %dma_start3A_95] : memref<32x50x128xi32, #tpu.memory_space<hbm>> -> memref<1x50x128xi32, #tpu.memory_space<hbm>>
      %dma_start3A_97 = tpu.memref_squeeze %dma_start3A_96 : memref<1x50x128xi32, #tpu.memory_space<hbm>> -> memref<50x128xi32, #tpu.memory_space<hbm>>
      %dma_start3A_98 = arith.constant 0 : i32
      %dma_start3A_99 = arith.constant 0 : i32
      %dma_start3A_100 = tpu.memref_slice %arg2[%add3A, %dma_start3A_98, %dma_start3A_99] : memref<32x50x128xi32, #tpu.memory_space<hbm>> -> memref<1x50x128xi32, #tpu.memory_space<hbm>>
      %dma_start3A_101 = tpu.memref_squeeze %dma_start3A_100 : memref<1x50x128xi32, #tpu.memory_space<hbm>> -> memref<50x128xi32, #tpu.memory_space<hbm>>
      tpu.enqueue_dma source(%dma_start3A_101 : memref<50x128xi32, #tpu.memory_space<hbm>>) target(%arg5 : memref<50x128xi32, #tpu.memory_space<vmem>>) target_semaphore(%run_scoped3A : memref<!tpu.dma_semaphore, #tpu.memory_space<semaphore_mem>>)
      %dma_wait3A_102 = arith.constant 0 : i32
      %dma_wait3A_103 = arith.constant 0 : i32
      %dma_wait3A_104 = tpu.memref_slice %arg2[%add3A, %dma_wait3A_102, %dma_wait3A_103] : memref<32x50x128xi32, #tpu.memory_space<hbm>> -> memref<1x50x128xi32, #tpu.memory_space<hbm>>
      %dma_wait3A_105 = tpu.memref_squeeze %dma_wait3A_104 : memref<1x50x128xi32, #tpu.memory_space<hbm>> -> memref<50x128xi32, #tpu.memory_space<hbm>>
      %dma_wait3A_106 = arith.constant 0 : i32
      %dma_wait3A_107 = arith.constant 0 : i32
      %dma_wait3A_108 = tpu.memref_slice %arg2[%add3A, %dma_wait3A_106, %dma_wait3A_107] : memref<32x50x128xi32, #tpu.memory_space<hbm>> -> memref<1x50x128xi32, #tpu.memory_space<hbm>>
      %dma_wait3A_109 = tpu.memref_squeeze %dma_wait3A_108 : memref<1x50x128xi32, #tpu.memory_space<hbm>> -> memref<50x128xi32, #tpu.memory_space<hbm>>
      tpu.wait_dma2 semaphore(%run_scoped3A : memref<!tpu.dma_semaphore, #tpu.memory_space<semaphore_mem>>) src(%dma_wait3A_109 : memref<50x128xi32, #tpu.memory_space<hbm>>) dst(%arg5 : memref<50x128xi32, #tpu.memory_space<vmem>>)
      tpu.yield
    }) : () -> ()
    %dma_start3A = arith.constant 0 : i32
    %dma_start3A_3 = arith.constant 0 : i32
    %dma_start3A_4 = arith.constant 0 : i32
    %dma_start3A_5 = arith.constant 0 : i32
    %dma_start3A_6 = tpu.memref_slice %arg6[%dma_start3A_3, %dma_start3A_4, %dma_start3A_5] : memref<3x256x128xf32, #tpu.memory_space<vmem>> -> memref<1x128x128xf32, #tpu.memory_space<vmem>>
    %dma_start3A_7 = tpu.memref_squeeze %dma_start3A_6 : memref<1x128x128xf32, #tpu.memory_space<vmem>> -> memref<128x128xf32, #tpu.memory_space<vmem>>
    %dma_start3A_8 = arith.constant 0 : i32
    %dma_start3A_9 = tpu.memref_slice %arg5[%dma_start3A, %dma_start3A_8] : memref<50x128xi32, #tpu.memory_space<vmem>> -> memref<1x128xi32, #tpu.memory_space<vmem>>
    %dma_start3A_10 = tpu.memref_squeeze %dma_start3A_9 : memref<1x128xi32, #tpu.memory_space<vmem>> -> memref<128xi32, #tpu.memory_space<vmem>>
    %dma_start3A_11 = arith.constant 0 : i32
    %dma_start3A_12 = arith.constant 0 : i32
    %dma_start3A_13 = tpu.memref_slice %arg3[%dma_start3A_11, %dma_start3A_12] : memref<100000x128xf32, #tpu.memory_space<hbm>> -> memref<100000x128xf32, #tpu.memory_space<hbm>>
    tpu.enqueue_indirect_dma source(%dma_start3A_13 : memref<100000x128xf32, #tpu.memory_space<hbm>>) target(%dma_start3A_7 : memref<128x128xf32, #tpu.memory_space<vmem>>) offsets(%dma_start3A_10 : memref<128xi32, #tpu.memory_space<vmem>>) semaphore(%arg7 : memref<!tpu.dma_semaphore, #tpu.memory_space<semaphore_mem>>)
    %dma_start3A_14 = arith.constant 1 : i32
    %dma_start3A_15 = arith.constant 0 : i32
    %dma_start3A_16 = arith.constant 128 : i32
    %dma_start3A_17 = arith.constant 0 : i32
    %dma_start3A_18 = tpu.memref_slice %arg6[%dma_start3A_15, %dma_start3A_16, %dma_start3A_17] : memref<3x256x128xf32, #tpu.memory_space<vmem>> -> memref<1x128x128xf32, #tpu.memory_space<vmem>>
    %dma_start3A_19 = tpu.memref_squeeze %dma_start3A_18 : memref<1x128x128xf32, #tpu.memory_space<vmem>> -> memref<128x128xf32, #tpu.memory_space<vmem>>
    %dma_start3A_20 = arith.constant 0 : i32
    %dma_start3A_21 = tpu.memref_slice %arg5[%dma_start3A_14, %dma_start3A_20] : memref<50x128xi32, #tpu.memory_space<vmem>> -> memref<1x128xi32, #tpu.memory_space<vmem>>
    %dma_start3A_22 = tpu.memref_squeeze %dma_start3A_21 : memref<1x128xi32, #tpu.memory_space<vmem>> -> memref<128xi32, #tpu.memory_space<vmem>>
    %dma_start3A_23 = arith.constant 0 : i32
    %dma_start3A_24 = arith.constant 0 : i32
    %dma_start3A_25 = tpu.memref_slice %arg3[%dma_start3A_23, %dma_start3A_24] : memref<100000x128xf32, #tpu.memory_space<hbm>> -> memref<100000x128xf32, #tpu.memory_space<hbm>>
    tpu.enqueue_indirect_dma source(%dma_start3A_25 : memref<100000x128xf32, #tpu.memory_space<hbm>>) target(%dma_start3A_19 : memref<128x128xf32, #tpu.memory_space<vmem>>) offsets(%dma_start3A_22 : memref<128xi32, #tpu.memory_space<vmem>>) semaphore(%arg7 : memref<!tpu.dma_semaphore, #tpu.memory_space<semaphore_mem>>)
    %dma_start3A_26 = arith.constant 2 : i32
    %dma_start3A_27 = arith.constant 1 : i32
    %dma_start3A_28 = arith.constant 0 : i32
    %dma_start3A_29 = arith.constant 0 : i32
    %dma_start3A_30 = tpu.memref_slice %arg6[%dma_start3A_27, %dma_start3A_28, %dma_start3A_29] : memref<3x256x128xf32, #tpu.memory_space<vmem>> -> memref<1x128x128xf32, #tpu.memory_space<vmem>>
    %dma_start3A_31 = tpu.memref_squeeze %dma_start3A_30 : memref<1x128x128xf32, #tpu.memory_space<vmem>> -> memref<128x128xf32, #tpu.memory_space<vmem>>
    %dma_start3A_32 = arith.constant 0 : i32
    %dma_start3A_33 = tpu.memref_slice %arg5[%dma_start3A_26, %dma_start3A_32] : memref<50x128xi32, #tpu.memory_space<vmem>> -> memref<1x128xi32, #tpu.memory_space<vmem>>
    %dma_start3A_34 = tpu.memref_squeeze %dma_start3A_33 : memref<1x128xi32, #tpu.memory_space<vmem>> -> memref<128xi32, #tpu.memory_space<vmem>>
    %dma_start3A_35 = arith.constant 0 : i32
    %dma_start3A_36 = arith.constant 0 : i32
    %dma_start3A_37 = tpu.memref_slice %arg3[%dma_start3A_35, %dma_start3A_36] : memref<100000x128xf32, #tpu.memory_space<hbm>> -> memref<100000x128xf32, #tpu.memory_space<hbm>>
    tpu.enqueue_indirect_dma source(%dma_start3A_37 : memref<100000x128xf32, #tpu.memory_space<hbm>>) target(%dma_start3A_31 : memref<128x128xf32, #tpu.memory_space<vmem>>) offsets(%dma_start3A_34 : memref<128xi32, #tpu.memory_space<vmem>>) semaphore(%arg7 : memref<!tpu.dma_semaphore, #tpu.memory_space<semaphore_mem>>)
    %dma_start3A_38 = arith.constant 3 : i32
    %dma_start3A_39 = arith.constant 1 : i32
    %dma_start3A_40 = arith.constant 128 : i32
    %dma_start3A_41 = arith.constant 0 : i32
    %dma_start3A_42 = tpu.memref_slice %arg6[%dma_start3A_39, %dma_start3A_40, %dma_start3A_41] : memref<3x256x128xf32, #tpu.memory_space<vmem>> -> memref<1x128x128xf32, #tpu.memory_space<vmem>>
    %dma_start3A_43 = tpu.memref_squeeze %dma_start3A_42 : memref<1x128x128xf32, #tpu.memory_space<vmem>> -> memref<128x128xf32, #tpu.memory_space<vmem>>
    %dma_start3A_44 = arith.constant 0 : i32
    %dma_start3A_45 = tpu.memref_slice %arg5[%dma_start3A_38, %dma_start3A_44] : memref<50x128xi32, #tpu.memory_space<vmem>> -> memref<1x128xi32, #tpu.memory_space<vmem>>
    %dma_start3A_46 = tpu.memref_squeeze %dma_start3A_45 : memref<1x128xi32, #tpu.memory_space<vmem>> -> memref<128xi32, #tpu.memory_space<vmem>>
    %dma_start3A_47 = arith.constant 0 : i32
    %dma_start3A_48 = arith.constant 0 : i32
    %dma_start3A_49 = tpu.memref_slice %arg3[%dma_start3A_47, %dma_start3A_48] : memref<100000x128xf32, #tpu.memory_space<hbm>> -> memref<100000x128xf32, #tpu.memory_space<hbm>>
    tpu.enqueue_indirect_dma source(%dma_start3A_49 : memref<100000x128xf32, #tpu.memory_space<hbm>>) target(%dma_start3A_43 : memref<128x128xf32, #tpu.memory_space<vmem>>) offsets(%dma_start3A_46 : memref<128xi32, #tpu.memory_space<vmem>>) semaphore(%arg7 : memref<!tpu.dma_semaphore, #tpu.memory_space<semaphore_mem>>)
    %scan3A = arith.constant 0 : i32
    %scan3A_50 = arith.constant 0 : i32
    %scan3A_51 = arith.constant 25 : i32
    %scan3A_52 = arith.addi %scan3A_50, %scan3A_51 : i32
    %scan3A_53 = arith.constant 1 : i32
    %scan3A_54 = scf.for %scan3A_94 = %scan3A_50 to %scan3A_52 step %scan3A_53 iter_args(%scan3A_95 = %scan3A) -> (i32)  : i32 {
      %rem3A = arith.constant 3 : i32
      %rem3A_96 = arith.remsi %scan3A_94, %rem3A : i32
      %mul3A_97 = arith.constant 2 : i32
      %mul3A_98 = arith.muli %mul3A_97, %scan3A_94 : i32
      %add3A_99 = arith.constant 0 : i32
      %add3A_100 = arith.addi %mul3A_98, %add3A_99 : i32
      %dma_wait3A_101 = arith.constant 0 : i32
      %dma_wait3A_102 = arith.constant 0 : i32
      %dma_wait3A_103 = tpu.memref_slice %arg6[%rem3A_96, %dma_wait3A_101, %dma_wait3A_102] : memref<3x256x128xf32, #tpu.memory_space<vmem>> -> memref<1x128x128xf32, #tpu.memory_space<vmem>>
      %dma_wait3A_104 = tpu.memref_squeeze %dma_wait3A_103 : memref<1x128x128xf32, #tpu.memory_space<vmem>> -> memref<128x128xf32, #tpu.memory_space<vmem>>
      %dma_wait3A_105 = arith.constant 0 : i32
      %dma_wait3A_106 = tpu.memref_slice %arg5[%add3A_100, %dma_wait3A_105] : memref<50x128xi32, #tpu.memory_space<vmem>> -> memref<1x128xi32, #tpu.memory_space<vmem>>
      %dma_wait3A_107 = tpu.memref_squeeze %dma_wait3A_106 : memref<1x128xi32, #tpu.memory_space<vmem>> -> memref<128xi32, #tpu.memory_space<vmem>>
      %dma_wait3A_108 = arith.constant 0 : i32
      %dma_wait3A_109 = arith.constant 0 : i32
      %dma_wait3A_110 = tpu.memref_slice %arg3[%dma_wait3A_108, %dma_wait3A_109] : memref<100000x128xf32, #tpu.memory_space<hbm>> -> memref<100000x128xf32, #tpu.memory_space<hbm>>
      tpu.wait_indirect_dma semaphore(%arg7 : memref<!tpu.dma_semaphore, #tpu.memory_space<semaphore_mem>>) src(%dma_wait3A_110 : memref<100000x128xf32, #tpu.memory_space<hbm>>) dst(%dma_wait3A_104 : memref<128x128xf32, #tpu.memory_space<vmem>>)
      %mul3A_111 = arith.constant 2 : i32
      %mul3A_112 = arith.muli %mul3A_111, %scan3A_94 : i32
      %add3A_113 = arith.constant 1 : i32
      %add3A_114 = arith.addi %mul3A_112, %add3A_113 : i32
      %dma_wait3A_115 = arith.constant 128 : i32
      %dma_wait3A_116 = arith.constant 0 : i32
      %dma_wait3A_117 = tpu.memref_slice %arg6[%rem3A_96, %dma_wait3A_115, %dma_wait3A_116] : memref<3x256x128xf32, #tpu.memory_space<vmem>> -> memref<1x128x128xf32, #tpu.memory_space<vmem>>
      %dma_wait3A_118 = tpu.memref_squeeze %dma_wait3A_117 : memref<1x128x128xf32, #tpu.memory_space<vmem>> -> memref<128x128xf32, #tpu.memory_space<vmem>>
      %dma_wait3A_119 = arith.constant 0 : i32
      %dma_wait3A_120 = tpu.memref_slice %arg5[%add3A_114, %dma_wait3A_119] : memref<50x128xi32, #tpu.memory_space<vmem>> -> memref<1x128xi32, #tpu.memory_space<vmem>>
      %dma_wait3A_121 = tpu.memref_squeeze %dma_wait3A_120 : memref<1x128xi32, #tpu.memory_space<vmem>> -> memref<128xi32, #tpu.memory_space<vmem>>
      %dma_wait3A_122 = arith.constant 0 : i32
      %dma_wait3A_123 = arith.constant 0 : i32
      %dma_wait3A_124 = tpu.memref_slice %arg3[%dma_wait3A_122, %dma_wait3A_123] : memref<100000x128xf32, #tpu.memory_space<hbm>> -> memref<100000x128xf32, #tpu.memory_space<hbm>>
      tpu.wait_indirect_dma semaphore(%arg7 : memref<!tpu.dma_semaphore, #tpu.memory_space<semaphore_mem>>) src(%dma_wait3A_124 : memref<100000x128xf32, #tpu.memory_space<hbm>>) dst(%dma_wait3A_118 : memref<128x128xf32, #tpu.memory_space<vmem>>)
      %mul3A_125 = arith.constant 2 : i32
      %mul3A_126 = arith.muli %scan3A_94, %mul3A_125 : i32
      %mul3A_127 = arith.constant 128 : i32
      %mul3A_128 = arith.muli %mul3A_126, %mul3A_127 : i32
      %add3A_129 = arith.addi %mul3A_2, %mul3A_128 : i32
      %dma_start3A_130 = arith.constant 0 : i32
      %dma_start3A_131 = arith.constant 0 : i32
      %dma_start3A_132 = tpu.memref_slice %arg6[%rem3A_96, %dma_start3A_130, %dma_start3A_131] : memref<3x256x128xf32, #tpu.memory_space<vmem>> -> memref<1x256x128xf32, #tpu.memory_space<vmem>>
      %dma_start3A_133 = tpu.memref_squeeze %dma_start3A_132 : memref<1x256x128xf32, #tpu.memory_space<vmem>> -> memref<256x128xf32, #tpu.memory_space<vmem>>
      %dma_start3A_134 = arith.constant 0 : i32
      %dma_start3A_135 = tpu.memref_slice %arg4[%add3A_129, %dma_start3A_134] : memref<204800x128xf32, #tpu.memory_space<hbm>> -> memref<256x128xf32, #tpu.memory_space<hbm>>
      %dma_start3A_136 = arith.constant 0 : i32
      %dma_start3A_137 = tpu.memref_slice %arg4[%add3A_129, %dma_start3A_136] : memref<204800x128xf32, #tpu.memory_space<hbm>> -> memref<256x128xf32, #tpu.memory_space<hbm>>
      %dma_start3A_138 = arith.constant 0 : i32
      %dma_start3A_139 = arith.constant 0 : i32
      %dma_start3A_140 = tpu.memref_slice %arg6[%rem3A_96, %dma_start3A_138, %dma_start3A_139] : memref<3x256x128xf32, #tpu.memory_space<vmem>> -> memref<1x256x128xf32, #tpu.memory_space<vmem>>
      %dma_start3A_141 = tpu.memref_squeeze %dma_start3A_140 : memref<1x256x128xf32, #tpu.memory_space<vmem>> -> memref<256x128xf32, #tpu.memory_space<vmem>>
      tpu.enqueue_dma source(%dma_start3A_141 : memref<256x128xf32, #tpu.memory_space<vmem>>) target(%dma_start3A_137 : memref<256x128xf32, #tpu.memory_space<hbm>>) target_semaphore(%arg8 : memref<!tpu.dma_semaphore, #tpu.memory_space<semaphore_mem>>)
      %add3A_142 = arith.constant 3 : i32
      %add3A_143 = arith.addi %scan3A_94, %add3A_142 : i32
      %sub3A = arith.constant 1 : i32
      %sub3A_144 = arith.subi %add3A_143, %sub3A : i32
      %ge3A = arith.constant 1 : i32
      %ge3A_145 = arith.cmpi sge, %scan3A_94, %ge3A : i32
      %lt3A = arith.constant 25 : i32
      %lt3A_146 = arith.cmpi slt, %sub3A_144, %lt3A : i32
      %and3A = arith.andi %ge3A_145, %lt3A_146 : i1
      %convert_element_type3A = arith.extui %and3A : i1 to i32
      %cond3A = arith.constant 0 : i32
      %cond3A_147 = arith.cmpi ne, %convert_element_type3A, %cond3A : i32
      scf.if %cond3A_147 {
        %dma_wait3A_154 = arith.constant 0 : i32
        %dma_wait3A_155 = arith.constant 0 : i32
        %dma_wait3A_156 = arith.constant 0 : i32
        %dma_wait3A_157 = tpu.memref_slice %arg6[%dma_wait3A_154, %dma_wait3A_155, %dma_wait3A_156] : memref<3x256x128xf32, #tpu.memory_space<vmem>> -> memref<1x256x128xf32, #tpu.memory_space<vmem>>
        %dma_wait3A_158 = tpu.memref_squeeze %dma_wait3A_157 : memref<1x256x128xf32, #tpu.memory_space<vmem>> -> memref<256x128xf32, #tpu.memory_space<vmem>>
        %dma_wait3A_159 = arith.constant 0 : i32
        %dma_wait3A_160 = tpu.memref_slice %arg4[%mul3A_2, %dma_wait3A_159] : memref<204800x128xf32, #tpu.memory_space<hbm>> -> memref<256x128xf32, #tpu.memory_space<hbm>>
        %dma_wait3A_161 = arith.constant 0 : i32
        %dma_wait3A_162 = tpu.memref_slice %arg4[%mul3A_2, %dma_wait3A_161] : memref<204800x128xf32, #tpu.memory_space<hbm>> -> memref<256x128xf32, #tpu.memory_space<hbm>>
        %dma_wait3A_163 = arith.constant 0 : i32
        %dma_wait3A_164 = arith.constant 0 : i32
        %dma_wait3A_165 = tpu.memref_slice %arg6[%dma_wait3A_154, %dma_wait3A_163, %dma_wait3A_164] : memref<3x256x128xf32, #tpu.memory_space<vmem>> -> memref<1x256x128xf32, #tpu.memory_space<vmem>>
        %dma_wait3A_166 = tpu.memref_squeeze %dma_wait3A_165 : memref<1x256x128xf32, #tpu.memory_space<vmem>> -> memref<256x128xf32, #tpu.memory_space<vmem>>
        tpu.wait_dma2 semaphore(%arg8 : memref<!tpu.dma_semaphore, #tpu.memory_space<semaphore_mem>>) src(%dma_wait3A_166 : memref<256x128xf32, #tpu.memory_space<vmem>>) dst(%dma_wait3A_162 : memref<256x128xf32, #tpu.memory_space<hbm>>)
      } else {
      }
      %lt3A_148 = arith.constant 25 : i32
      %lt3A_149 = arith.cmpi slt, %sub3A_144, %lt3A_148 : i32
      %convert_element_type3A_150 = arith.extui %lt3A_149 : i1 to i32
      %cond3A_151 = arith.constant 0 : i32
      %cond3A_152 = arith.cmpi ne, %convert_element_type3A_150, %cond3A_151 : i32
      scf.if %cond3A_152 {
        %mul3A_154 = arith.constant 2 : i32
        %mul3A_155 = arith.muli %mul3A_154, %sub3A_144 : i32
        %add3A_156 = arith.constant 0 : i32
        %add3A_157 = arith.addi %mul3A_155, %add3A_156 : i32
        %rem3A_158 = arith.constant 3 : i32
        %rem3A_159 = arith.remsi %sub3A_144, %rem3A_158 : i32
        %dma_start3A_160 = arith.constant 0 : i32
        %dma_start3A_161 = arith.constant 0 : i32
        %dma_start3A_162 = tpu.memref_slice %arg6[%rem3A_159, %dma_start3A_160, %dma_start3A_161] : memref<3x256x128xf32, #tpu.memory_space<vmem>> -> memref<1x128x128xf32, #tpu.memory_space<vmem>>
        %dma_start3A_163 = tpu.memref_squeeze %dma_start3A_162 : memref<1x128x128xf32, #tpu.memory_space<vmem>> -> memref<128x128xf32, #tpu.memory_space<vmem>>
        %dma_start3A_164 = arith.constant 0 : i32
        %dma_start3A_165 = tpu.memref_slice %arg5[%add3A_157, %dma_start3A_164] : memref<50x128xi32, #tpu.memory_space<vmem>> -> memref<1x128xi32, #tpu.memory_space<vmem>>
        %dma_start3A_166 = tpu.memref_squeeze %dma_start3A_165 : memref<1x128xi32, #tpu.memory_space<vmem>> -> memref<128xi32, #tpu.memory_space<vmem>>
        %dma_start3A_167 = arith.constant 0 : i32
        %dma_start3A_168 = arith.constant 0 : i32
        %dma_start3A_169 = tpu.memref_slice %arg3[%dma_start3A_167, %dma_start3A_168] : memref<100000x128xf32, #tpu.memory_space<hbm>> -> memref<100000x128xf32, #tpu.memory_space<hbm>>
        tpu.enqueue_indirect_dma source(%dma_start3A_169 : memref<100000x128xf32, #tpu.memory_space<hbm>>) target(%dma_start3A_163 : memref<128x128xf32, #tpu.memory_space<vmem>>) offsets(%dma_start3A_166 : memref<128xi32, #tpu.memory_space<vmem>>) semaphore(%arg7 : memref<!tpu.dma_semaphore, #tpu.memory_space<semaphore_mem>>)
        %mul3A_170 = arith.constant 2 : i32
        %mul3A_171 = arith.muli %mul3A_170, %sub3A_144 : i32
        %add3A_172 = arith.constant 1 : i32
        %add3A_173 = arith.addi %mul3A_171, %add3A_172 : i32
        %rem3A_174 = arith.constant 3 : i32
        %rem3A_175 = arith.remsi %sub3A_144, %rem3A_174 : i32
        %dma_start3A_176 = arith.constant 128 : i32
        %dma_start3A_177 = arith.constant 0 : i32
        %dma_start3A_178 = tpu.memref_slice %arg6[%rem3A_175, %dma_start3A_176, %dma_start3A_177] : memref<3x256x128xf32, #tpu.memory_space<vmem>> -> memref<1x128x128xf32, #tpu.memory_space<vmem>>
        %dma_start3A_179 = tpu.memref_squeeze %dma_start3A_178 : memref<1x128x128xf32, #tpu.memory_space<vmem>> -> memref<128x128xf32, #tpu.memory_space<vmem>>
        %dma_start3A_180 = arith.constant 0 : i32
        %dma_start3A_181 = tpu.memref_slice %arg5[%add3A_173, %dma_start3A_180] : memref<50x128xi32, #tpu.memory_space<vmem>> -> memref<1x128xi32, #tpu.memory_space<vmem>>
        %dma_start3A_182 = tpu.memref_squeeze %dma_start3A_181 : memref<1x128xi32, #tpu.memory_space<vmem>> -> memref<128xi32, #tpu.memory_space<vmem>>
        %dma_start3A_183 = arith.constant 0 : i32
        %dma_start3A_184 = arith.constant 0 : i32
        %dma_start3A_185 = tpu.memref_slice %arg3[%dma_start3A_183, %dma_start3A_184] : memref<100000x128xf32, #tpu.memory_space<hbm>> -> memref<100000x128xf32, #tpu.memory_space<hbm>>
        tpu.enqueue_indirect_dma source(%dma_start3A_185 : memref<100000x128xf32, #tpu.memory_space<hbm>>) target(%dma_start3A_179 : memref<128x128xf32, #tpu.memory_space<vmem>>) offsets(%dma_start3A_182 : memref<128xi32, #tpu.memory_space<vmem>>) semaphore(%arg7 : memref<!tpu.dma_semaphore, #tpu.memory_space<semaphore_mem>>)
      } else {
      }
      %scan3A_153 = arith.constant 0 : i32
      scf.yield %scan3A_153 : i32
    }
    %scan3A_55 = arith.constant 25 : i32
    %dma_wait3A = arith.constant 0 : i32
    %dma_wait3A_56 = arith.constant 0 : i32
    %dma_wait3A_57 = arith.constant 0 : i32
    %dma_wait3A_58 = tpu.memref_slice %arg6[%dma_wait3A, %dma_wait3A_56, %dma_wait3A_57] : memref<3x256x128xf32, #tpu.memory_space<vmem>> -> memref<1x256x128xf32, #tpu.memory_space<vmem>>
    %dma_wait3A_59 = tpu.memref_squeeze %dma_wait3A_58 : memref<1x256x128xf32, #tpu.memory_space<vmem>> -> memref<256x128xf32, #tpu.memory_space<vmem>>
    %dma_wait3A_60 = arith.constant 0 : i32
    %dma_wait3A_61 = tpu.memref_slice %arg4[%mul3A_2, %dma_wait3A_60] : memref<204800x128xf32, #tpu.memory_space<hbm>> -> memref<256x128xf32, #tpu.memory_space<hbm>>
    %dma_wait3A_62 = arith.constant 0 : i32
    %dma_wait3A_63 = tpu.memref_slice %arg4[%mul3A_2, %dma_wait3A_62] : memref<204800x128xf32, #tpu.memory_space<hbm>> -> memref<256x128xf32, #tpu.memory_space<hbm>>
    %dma_wait3A_64 = arith.constant 0 : i32
    %dma_wait3A_65 = arith.constant 0 : i32
    %dma_wait3A_66 = tpu.memref_slice %arg6[%dma_wait3A, %dma_wait3A_64, %dma_wait3A_65] : memref<3x256x128xf32, #tpu.memory_space<vmem>> -> memref<1x256x128xf32, #tpu.memory_space<vmem>>
    %dma_wait3A_67 = tpu.memref_squeeze %dma_wait3A_66 : memref<1x256x128xf32, #tpu.memory_space<vmem>> -> memref<256x128xf32, #tpu.memory_space<vmem>>
    tpu.wait_dma2 semaphore(%arg8 : memref<!tpu.dma_semaphore, #tpu.memory_space<semaphore_mem>>) src(%dma_wait3A_67 : memref<256x128xf32, #tpu.memory_space<vmem>>) dst(%dma_wait3A_63 : memref<256x128xf32, #tpu.memory_space<hbm>>)
    %dma_wait3A_68 = arith.constant 0 : i32
    %dma_wait3A_69 = arith.constant 0 : i32
    %dma_wait3A_70 = arith.constant 0 : i32
    %dma_wait3A_71 = tpu.memref_slice %arg6[%dma_wait3A_68, %dma_wait3A_69, %dma_wait3A_70] : memref<3x256x128xf32, #tpu.memory_space<vmem>> -> memref<1x256x128xf32, #tpu.memory_space<vmem>>
    %dma_wait3A_72 = tpu.memref_squeeze %dma_wait3A_71 : memref<1x256x128xf32, #tpu.memory_space<vmem>> -> memref<256x128xf32, #tpu.memory_space<vmem>>
    %dma_wait3A_73 = arith.constant 0 : i32
    %dma_wait3A_74 = tpu.memref_slice %arg4[%mul3A_2, %dma_wait3A_73] : memref<204800x128xf32, #tpu.memory_space<hbm>> -> memref<256x128xf32, #tpu.memory_space<hbm>>
    %dma_wait3A_75 = arith.constant 0 : i32
    %dma_wait3A_76 = tpu.memref_slice %arg4[%mul3A_2, %dma_wait3A_75] : memref<204800x128xf32, #tpu.memory_space<hbm>> -> memref<256x128xf32, #tpu.memory_space<hbm>>
    %dma_wait3A_77 = arith.constant 0 : i32
    %dma_wait3A_78 = arith.constant 0 : i32
    %dma_wait3A_79 = tpu.memref_slice %arg6[%dma_wait3A_68, %dma_wait3A_77, %dma_wait3A_78] : memref<3x256x128xf32, #tpu.memory_space<vmem>> -> memref<1x256x128xf32, #tpu.memory_space<vmem>>
    %dma_wait3A_80 = tpu.memref_squeeze %dma_wait3A_79 : memref<1x256x128xf32, #tpu.memory_space<vmem>> -> memref<256x128xf32, #tpu.memory_space<vmem>>
    tpu.wait_dma2 semaphore(%arg8 : memref<!tpu.dma_semaphore, #tpu.memory_space<semaphore_mem>>) src(%dma_wait3A_80 : memref<256x128xf32, #tpu.memory_space<vmem>>) dst(%dma_wait3A_76 : memref<256x128xf32, #tpu.memory_space<hbm>>)
    %dma_wait3A_81 = arith.constant 0 : i32
    %dma_wait3A_82 = arith.constant 0 : i32
    %dma_wait3A_83 = arith.constant 0 : i32
    %dma_wait3A_84 = tpu.memref_slice %arg6[%dma_wait3A_81, %dma_wait3A_82, %dma_wait3A_83] : memref<3x256x128xf32, #tpu.memory_space<vmem>> -> memref<1x256x128xf32, #tpu.memory_space<vmem>>
    %dma_wait3A_85 = tpu.memref_squeeze %dma_wait3A_84 : memref<1x256x128xf32, #tpu.memory_space<vmem>> -> memref<256x128xf32, #tpu.memory_space<vmem>>
    %dma_wait3A_86 = arith.constant 0 : i32
    %dma_wait3A_87 = tpu.memref_slice %arg4[%mul3A_2, %dma_wait3A_86] : memref<204800x128xf32, #tpu.memory_space<hbm>> -> memref<256x128xf32, #tpu.memory_space<hbm>>
    %dma_wait3A_88 = arith.constant 0 : i32
    %dma_wait3A_89 = tpu.memref_slice %arg4[%mul3A_2, %dma_wait3A_88] : memref<204800x128xf32, #tpu.memory_space<hbm>> -> memref<256x128xf32, #tpu.memory_space<hbm>>
    %dma_wait3A_90 = arith.constant 0 : i32
    %dma_wait3A_91 = arith.constant 0 : i32
    %dma_wait3A_92 = tpu.memref_slice %arg6[%dma_wait3A_81, %dma_wait3A_90, %dma_wait3A_91] : memref<3x256x128xf32, #tpu.memory_space<vmem>> -> memref<1x256x128xf32, #tpu.memory_space<vmem>>
    %dma_wait3A_93 = tpu.memref_squeeze %dma_wait3A_92 : memref<1x256x128xf32, #tpu.memory_space<vmem>> -> memref<256x128xf32, #tpu.memory_space<vmem>>
    tpu.wait_dma2 semaphore(%arg8 : memref<!tpu.dma_semaphore, #tpu.memory_space<semaphore_mem>>) src(%dma_wait3A_93 : memref<256x128xf32, #tpu.memory_space<vmem>>) dst(%dma_wait3A_89 : memref<256x128xf32, #tpu.memory_space<hbm>>)
    return
  }
}

</mosaic_0001>

<sc_bundles>
// kernel: kernel.3.cloned.1.call-start
scs
__scs_entry_jumppad:
0x0: {  	(pc) =	sbr.rel $0x88, $3  }
0x1: {  	(tag) =	ssettag $0x0;
	lr =	simm.s32 $0x1  }
0x2: {  	[smem:$0x3F9F] =	sst lr;
	_ =	strace $0xD0000000  }
0x3: {  	_ = 	snop  }
0x4: {  	_ = 	snop  }
0x5: {  	_ = 	snop  }
0x6: {  	_ = 	snop  }
0x7: {  	_ = 	snop  }
__scs_overlays_trampoline_lowered:
0x8: {  	[smem:$0x3FAE] =	sst s0  }
0x9: {  	[smem:$0x3FAF] =	sst s1  }
0xa: {  	[smem:$0x3FB0] =	sst s2  }
0xb: {  	[smem:$0x3FB1] =	sst s3  }
0xc: {  	[smem:$0x3FB2] =	sst s4  }
0xd: {  	[smem:$0x3FB3] =	sst s5  }
0xe: {  	[smem:$0x3FB4] =	sst s6  }
0xf: {  	[smem:$0x3FB5] =	sst s7  }
0x10: {  	[smem:$0x3FB6] =	sst s8  }
0x11: {  	[smem:$0x3FB7] =	sst s9;
	s0 =	simm.s32 @!p0 $0x0  }
0x12: {  	s1 =	sld [smem:$0x3F9D];
	s0 =	simm.s32 @p0 $0x1  }
0x13: {  	[smem:$0x3FB8] =	sst s0;
	s0 =	simm.s32 @!p1 $0x0  }
0x14: {  	s2 =	sld [smem:$0x3F9C];
	s0 =	simm.s32 @p1 $0x1  }
0x15: {  	[smem:$0x3FB9] =	sst s0;
	s0 =	simm.s32 @!p2 $0x0  }
0x16: {  	s3 =	sld [smem:$0x3FDB];
	s0 =	simm.s32 @p2 $0x1  }
0x17: {  	s4 =	simm.s32 $0x1BF5;
	[smem:$0x3FBB] =	sst s0  }
0x18: {  	s0 =	sld [smem:$0x3F9E];
	_ =	swait.ge [sflag:s4], $0x0  }
0x19: {  	s7 =	sld [smem:$0x3F9F]  }
0x1a: {  	s8 =	sadd.s32 $0xFFFFE003, lr  }
0x1b: {  	s9 =	sadd.s32 $0xFFFFFEF7, lr;
	s5 =	simm.s32 $0xFFFFFFFF;
	p2 =	slt.u32 s8, $0xFFFFF086  }
0x1c: {  	p1 =	slt.u32 s9, $0xF7A;
	s5 =	simm.s32 @!p2 $0x0  }
0x1d: {  	s5 =	simm.s32 @p1 $0x1;
	p0 =	seq.s32 s7, s2  }
0x1e: {  	s7 =	smul.u32 @!p0 $0xF7A, s2;
	p2 =	seq.s32 @!p0 s5, $0x0  }
0x1f: {  	s9 =	smul.u32 $0xF7A, s1;
	s8 =	simm.s32 @!p0 $0x1BF5;
	p2 =	por !p2, p0  }
0x20: {  	[sflag:s8] =	ssyncset.s32 @!p0 $0xFFFFF086;
	s6 =	sadd.s32 @!p0 s3, s7;
	s7 =	simm.s32 @!p0 $0x108  }
0x21: {  	s3 =	sadd.s32 s3, s9;
	s6 =	sadd.s32 @!p0 $0x88, s6;
	s7 =	simm.s32 @p2 $0x1082  }
0x22: {  	[simem:s7], [sflag:s8] =	dma.local @!p0 [hbm:s6], $0xF7A  }
0x23: {  	s9 =	sor.u32 $0xD0000000, s2;
	s6 =	simm.s32 $0x108;
	_ =	swait.ge @!p0 [sflag:s8], $0x0  }
0x24: {  	s3 =	sadd.s32 $0x88, s3;
	s6 =	simm.s32 @!p1 $0x1082;
	[sflag:s4] =	ssyncset.s32 $0xFFFFF086  }
0x25: {  	[simem:s6], [sflag:s4] =	dma.local [hbm:s3], $0xF7A  }
0x26: {  	[smem:$0x3F9F] =	sst s1;
	(tag) =	ssettag s2;
	_ =	strace s9  }
0x27: {  	s1 =	sld [smem:$0x3FAF]  }
0x28: {  	s2 =	sld [smem:$0x3FB0]  }
0x29: {  	s4 =	sld [smem:$0x3FB2]  }
0x2a: {  	p0 =	seq.s32 s5, $0x0;
	s5 =	sld [smem:$0x3FB3]  }
0x2b: {  	s6 =	sld [smem:$0x3FB4]  }
0x2c: {  	s7 =	sld [smem:$0x3FB5]  }
0x2d: {  	s3 =	simm.s32 $0x108;
	s8 =	sld [smem:$0x3FB6]  }
0x2e: {  	s3 =	simm.s32 @!p0 $0x1082;
	s9 =	sld [smem:$0x3FB7]  }
0x2f: {  	lr =	sadd.s32 s0, s3;
	s0 =	sld [smem:$0x3FAE]  }
0x30: {  	s3 =	sld [smem:$0x3FB1]  }
0x31: {  	[smem:$0x3FBA] =	sst s10  }
0x32: {  	s10 =	sld [smem:$0x3FB8];
	_ =	sdelay $0x3  }
0x33: {  	p0 =	seq.s32 s10, $0x1;
	s10 =	sld [smem:$0x3FBA];
	_ =	sdelay $0x3  }
0x34: {  	[smem:$0x3FBA] =	sst s10  }
0x35: {  	s10 =	sld [smem:$0x3FB9];
	_ =	sdelay $0x3  }
0x36: {  	p1 =	seq.s32 s10, $0x1;
	s10 =	sld [smem:$0x3FBA];
	_ =	sdelay $0x3  }
0x37: {  	[smem:$0x3FBA] =	sst s10  }
0x38: {  	s10 =	sld [smem:$0x3FBB]  }
0x39: {  	_ = 	snop;
	(pc) =	sbr.ind lr, $3  }
0x3a: {  	_ = 	snop  }
0x3b: {  	_ = 	snop  }
0x3c: {  	p2 =	seq.s32 s10, $0x1;
	s10 =	sld [smem:$0x3FBA]  }
0x3d: {  	_ =	shalt  }
0x3e: {  	_ =	shalt  }
0x3f: {  	_ =	shalt  }
0x40: {  	_ =	shalt  }
0x41: {  	_ =	shalt  }
0x42: {  	_ =	shalt  }
0x43: {  	_ =	shalt  }
0x44: {  	_ =	shalt  }
0x45: {  	_ =	shalt  }
0x46: {  	_ =	shalt  }
0x47: {  	_ =	shalt  }
0x48: {  	_ =	shalt  }
0x49: {  	_ =	shalt  }
0x4a: {  	_ =	shalt  }
0x4b: {  	_ =	shalt  }
0x4c: {  	_ =	shalt  }
0x4d: {  	_ =	shalt  }
0x4e: {  	_ =	shalt  }
0x4f: {  	_ =	shalt  }
0x50: {  	_ =	shalt  }
0x51: {  	_ =	shalt  }
0x52: {  	_ =	shalt  }
0x53: {  	_ =	shalt  }
0x54: {  	_ =	shalt  }
0x55: {  	_ =	shalt  }
0x56: {  	_ =	shalt  }
0x57: {  	_ =	shalt  }
0x58: {  	_ =	shalt  }
0x59: {  	_ =	shalt  }
0x5a: {  	_ =	shalt  }
0x5b: {  	_ =	shalt  }
0x5c: {  	_ =	shalt  }
0x5d: {  	_ =	shalt  }
0x5e: {  	_ =	shalt  }
0x5f: {  	_ =	shalt  }
0x60: {  	_ =	shalt  }
0x61: {  	_ =	shalt  }
0x62: {  	_ =	shalt  }
0x63: {  	_ =	shalt  }
0x64: {  	_ =	shalt  }
0x65: {  	_ =	shalt  }
0x66: {  	_ =	shalt  }
0x67: {  	_ =	shalt  }
0x68: {  	_ =	shalt  }
0x69: {  	_ =	shalt  }
0x6a: {  	_ =	shalt  }
0x6b: {  	_ =	shalt  }
0x6c: {  	_ =	shalt  }
0x6d: {  	_ =	shalt  }
0x6e: {  	_ =	shalt  }
0x6f: {  	_ =	shalt  }
0x70: {  	_ =	shalt  }
0x71: {  	_ =	shalt  }
0x72: {  	_ =	shalt  }
0x73: {  	_ =	shalt  }
0x74: {  	_ =	shalt  }
0x75: {  	_ =	shalt  }
0x76: {  	_ =	shalt  }
0x77: {  	_ =	shalt  }
0x78: {  	_ =	shalt  }
0x79: {  	_ =	shalt  }
0x7a: {  	_ =	shalt  }
0x7b: {  	_ =	shalt  }
0x7c: {  	_ =	shalt  }
0x7d: {  	_ =	shalt  }
0x7e: {  	_ =	shalt  }
0x7f: {  	_ =	shalt  }
0x80: {  	_ =	shalt  }
0x81: {  	_ =	shalt  }
0x82: {  	_ =	shalt  }
0x83: {  	_ =	shalt  }
0x84: {  	_ =	shalt  }
0x85: {  	_ =	shalt  }
0x86: {  	_ =	shalt  }
0x87: {  	_ =	shalt  }
.Lfunc_end0:
.L_simem_size_0:
called_computation_lowered:
.L_overlay_start_0:
0x88: {  	s2 =	sld [smem:$0x3FD9]  }
0x89: {  	s3 =	sld [smem:$0x3FFE];
	_ =	sdelay $0x1  }
0x8a: {  	s1 =	srdreg.scid  }
0x8b: {  	s0 =	sand.u32 $0x1, s1  }
0x8c: {  	s17 =	sshll.u32 s0, $0xA;
	s2 =	sadd.s32 s3, s2  }
0x8d: {  	s2 =	sadd.s32 s2, s17  }
0x8e: {  	[smem:$0x3FC6] =	sst s2  }
0x8f: {  	_ = 	snop  }
0x90: {  	s2 =	sld [smem:$0x3FC8]  }
0x91: {  	s18 =	sld [smem:$0x3FD0];
	(tm) =	ssettm $0x1  }
0x92: {  	s4 =	sld [smem:$0x3FFB];
	_ =	sdelay $0x3  }
0x93: {  	_ =	strace s4  }
0x94: {  	s4 =	sld [smem:$0x3FFC];
	_ =	sdelay $0x3  }
0x95: {  	_ =	strace s4  }
0x96: {  	s4 =	sld [smem:$0x3FFD];
	_ =	sdelay $0x3  }
0x97: {  	_ =	strace s4  }
0x98: {  	_ =	strace $0x8FFFFFFF  }
0x99: {  	s19 =	sld [smem:$0x3FDB];
	_ =	sdelay $0x1  }
0x9a: {  	s5 =	simm.s32 $_scs_section_size  }
0x9b: {  	s6 =	simm.s32 $_size__tile_overlayer_lowered;
	s7 =	simm.s32 $_tile_overlayer_lowered  }
0x9c: {  	s22 =	simm.s32 $0x1BFF;
	s21 =	sshll.u32 s7, $0x1;
	s4 =	sadd.s32 s5, s19  }
0x9d: {  	s8 =	simm.s32 $0x0;
	s20 =	sshll.u32 s6, $0x1;
	s6 =	sadd.s32 s21, s4  }
0x9e: {  	[timem:s8], [sflag:s22] =	dma.local [hbm:s6], s20  }
0x9f: {  	_ =	swait.ge [sflag:s22], s20  }
0xa0: {  	s5 =	ssub.s32 $0x0, s20;
	[sflag:s22] =	ssyncset.done $0x0  }
0xa1: {  	[sflag:s22] =	ssyncadd.s32 s5;
	_ =	sdelay $0x1  }
0xa2: {  	s23 =	simm.s32 $0x1B8B  }
0xa3: {  	_ =	swait.ge [sflag:s23], $0x1  }
0xa4: {  	[sflag:s23] =	ssyncset.done $0x0  }
0xa5: {  	s25 =	simm.s32 $0x1B8E;
	s24 =	sld [smem:$0x3FFE];
	[sflag:s23] =	ssyncadd.s32 $0xFFFFFFFF  }
0xa6: {  	s26 =	simm.s32 $execute0_lowered;
	[smem:$0x3FD2] =	sst s25  }
0xa7: {  	s6 =	sshll.u32 s26, $0x1;
	_ =	strace $0x80000046;
	[dreg:$0x1] =	wrdreg $0xFFFFFFFF  }
0xa8: {  	s28 =	simm.s32 $_size_execute0_lowered;
	s4 =	sadd.s32 s4, s6;
	[dreg:$0x0] =	wrdreg $0x0  }
0xa9: {  	s6 =	sshll.u32 s28, $0x1;
	[dreg:$0x2] =	wrdreg s4  }
0xaa: {  	[dreg:$0x3] =	wrdreg s6  }
0xab: {  	[dreg:$0x4] =	wrdreg $0xC0  }
0xac: {  	_ =	task [dreg:s8], $0x5FFFF  }
0xad: {  	[dreg:$0x1] =	wrdreg $0xFFFFFFFF  }
0xae: {  	[dreg:$0x0] =	wrdreg $0x60  }
0xaf: {  	[dreg:$0x2] =	wrdreg s24  }
0xb0: {  	[dreg:$0x3] =	wrdreg s2  }
0xb1: {  	[dreg:$0x4] =	wrdreg s18  }
0xb2: {  	[dreg:$0x5] =	wrdreg $0x9  }
0xb3: {  	_ =	task.clear_ibuf [dreg:s8], $0x6FFFF;
	_ =	strace $0x90000046  }
0xb4: {  	s29 =	simm.s32 $0x9;
	_ =	strace $0x80000048  }
0xb5: {  	_ =	swait.ge [sflag:s29], $0x1  }
0xb6: {  	[sflag:s29] =	ssyncadd.s32 $0xFFFFFFFF  }
0xb7: {  	_ =	strace $0x90000048  }
0xb8: {  	_ =	sfence  }
0xb9: {  	s30 =	sld [smem:$0x0];
	_ =	sdelay $0x2  }
0xba: {  	s31 =	sshll.u32 s1, $0xD;
	s1 =	sshrl.u32 s1, $0x2  }
0xbb: {  	s3 =	sand.u32 $0x4000, s31;
	s1 =	sadd.s32 s1, s30  }
0xbc: {  	s0 =	sor.u32 s3, s0;
	s1 =	sshll.u32 s1, $0x11  }
0xbd: {  	s0 =	sor.u32 s1, s0  }
0xbe: {  	s0 =	sadd.s32 $0x8F2B, s0  }
0xbf: {  	[sflag:s0] =	ssyncadd.remote.s32 $0x1  }
0xc0: {  	_ =	sfence.sel $0xFFFF  }
0xc1: {  	[dreg:$0x0] =	wrdreg $0xFFFFFFFF;
	(pc) =	sbr.abs _section_cstart, $3  }
0xc2: {  	[dreg:$0x1] =	wrdreg $0xFFFFFFFF  }
0xc3: {  	_ =	task.clear_ibuf [dreg:s8], $0x2FFFF;
	_ =	strace $0x9FFFFFFF  }
0xc4: {  	(tm) =	ssettm $0x7FFFFFFF  }
0xc5: {  	_ =	shalt  }
tec
execute0_lowered:
.L_overlay_start_1:
0x0: {  	(tag) =	ssettag $0x1  }
0x1: {  	s4 =	rddreg [dreg:$0x0]  }
0x2: {  	s1 =	srdreg.scid;
	s2 =	rddreg [dreg:$0x1]  }
0x3: {  	s0 =	stileid.u32;
	s6 =	rddreg [dreg:$0x2];
	s3 =	simm.s32 $0x0  }
0x4: {  	s11 =	simm.s32 $0x100;
	s12 =	simm.s32 $0x9C00;
	s13 =	simm.s32 $0x180  }
0x5: {  	s14 =	simm.s32 $0xDC00;
	s15 =	simm.s32 $0x1;
	s16 =	simm.s32 $0x2  }
0x6: {  	s5 =	sand.u32 $0x1, s1;
	s29 =	sshll.u32 s0, $0x1;
	s8 =	smul.u32 $0x190000, s0  }
0x7: {  	s1 =	sor.u32 s5, s29;
	s9 =	ssub.s32 $0x2, s5;
	s5 =	smul.u32 $0xC8000, s5  }
0x8: {  	s17 =	simm.s32 $0x0;
	[smem:$0x7FF] =	sst s3;
	s7 =	smul.u32 $0x380, s1  }
.Ltmp0:
0x9: {  	s1 =	rddreg [dreg:$0x3];
	s10 =	sshrl.u32 s9, $0x1;
	(pc) =	sbr.rel .LBB2_1-.Ltmp0, $4  }
0xa: {  	_ =	strace $0x80000047;
	s30 =	ssub.s32 s9, s10;
	s8 =	sadd.s32 s5, s8  }
0xb: {  	s9 =	simm.s32 $0x1C00;
	s10 =	simm.s32 $0x5C00;
	s4 =	sadd.s32 s7, s4  }
0xc: {  	s5 =	smax.u32 s30, $0x1;
	s31 =	sshrl.u32 s8, $0x3;
	s7 =	simm.s32 $0x3  }
0xd: {  	s8 =	simm.s32 $0x80;
	s4 =	sadd.s32 $0x400, s4;
	s6 =	sadd.s32 s31, s6  }
.LBB2_7:
0xe: {  	_ =	swait.ge [sflag:s16], $0x8000  }
0xf: {  	[sflag:s16] =	ssyncset.done $0x0  }
0x10: {  	s17 =	sadd.s32 $0x1, s17;
	[sflag:s16] =	ssyncadd.s32 $0xFFFF8000  }
0x11: {  	p0 =	sne.s32 s17, s5;
	_ =	swait.ge [sflag:s16], $0x8000  }
.Ltmp1:
0x12: {  	[sflag:s16] =	ssyncset.done $0x0;
	(pc) =	sbr.rel @!p0 .LBB2_8-.Ltmp1, $4  }
0x13: {  	[sflag:s16] =	ssyncadd.s32 $0xFFFF8000  }
0x14: {  	_ =	swait.ge [sflag:s16], $0x8000  }
0x15: {  	[sflag:s16] =	ssyncset.done $0x0  }
0x16: {  	[sflag:s16] =	ssyncadd.s32 $0xFFFF8000  }
.LBB2_1:
0x17: {  	[tilespmem:s3], [sflag:$0x3] =	stream.linear.gather [hbm4b:s4+s3], $0x1900, $0x38;
	[tilespmem:$0x19C00] =	vst v63  }
0x18: {  	_ =	swait.ge [sflag:s7], $0x1900  }
0x19: {  	[sflag:s7] =	ssyncset.done $0x0  }
0x1a: {  	[sflag:s7] =	ssyncadd.s32 $0xFFFFE700  }
0x1b: {  	[tilespmem:s9], [sflag:$0x1] =	stream.indirect.gather [hbm4b:s2+s8], $0x80, s3, s8, $0xb8;
	[tilespmem:$0x19C00] =	vst v63  }
0x1c: {  	_ = 	snop  }
0x1d: {  	[tilespmem:s10], [sflag:$0x1] =	stream.indirect.gather [hbm4b:s2+s8], $0x80, s8, s8, $0xb8;
	[tilespmem:$0x19C00] =	vst v63  }
.Ltmp2:
0x1e: {  	_ = 	snop;
	(pc) =	sbr.rel .LBB2_2-.Ltmp2, $4  }
0x1f: {  	_ = 	snop  }
0x20: {  	[tilespmem:s12], [sflag:$0x1] =	stream.indirect.gather [hbm4b:s2+s8], $0x80, s11, s8, $0xb8;
	[tilespmem:$0x19C00] =	vst v63  }
0x21: {  	s18 =	simm.s32 $0x280;
	s19 =	simm.s32 $0x2;
	s20 =	smov.u32 s6  }
0x22: {  	[tilespmem:s14], [sflag:$0x1] =	stream.indirect.gather [hbm4b:s2+s8], $0x80, s13, s8, $0xb8;
	[tilespmem:$0x19C00] =	vst v63  }
.LBB2_3:
0x23: {  	_ =	swait.ge [sflag:s16], $0x8000  }
0x24: {  	[sflag:s16] =	ssyncset.done $0x0  }
0x25: {  	[sflag:s16] =	ssyncadd.s32 $0xFFFF8000  }
.LBB2_5:
0x26: {  	s21 =	smul.u32 $0xAB, s19;
	_ =	sdelay $0x1  }
0x27: {  	s21 =	sshrl.u32 s21, $0x9  }
0x28: {  	s21 =	sand.u32 $0x7F, s21  }
0x29: {  	s21 =	smul.u32 $0x3, s21;
	_ =	sdelay $0x1  }
0x2a: {  	s21 =	ssub.s32 s19, s21  }
0x2b: {  	s21 =	sand.u32 $0xFF, s21  }
0x2c: {  	s21 =	sshll.u32 s21, $0xF  }
0x2d: {  	s23 =	sadd.s32 $0xFFFFFF80, s18;
	s22 =	sor.u32 $0x1C00, s21  }
0x2e: {  	[tilespmem:s22], [sflag:$0x1] =	stream.indirect.gather [hbm4b:s2+s8], $0x80, s23, s8, $0xb8;
	[tilespmem:$0x19C00] =	vst v63  }
0x2f: {  	s21 =	sor.u32 $0x5C00, s21  }
0x30: {  	[tilespmem:s21], [sflag:$0x1] =	stream.indirect.gather [hbm4b:s2+s8], $0x80, s18, s8, $0xb8;
	[tilespmem:$0x19C00] =	vst v63  }
.LBB2_6:
0x31: {  	s19 =	sadd.s32 $0x1, s19  }
0x32: {  	p0 =	sne.s32 s19, $0x1B  }
.Ltmp3:
0x33: {  	_ = 	snop;
	(pc) =	sbr.rel @!p0 .LBB2_7-.Ltmp3, $2  }
0x34: {  	_ =	sdelay $0x2  }
0x35: {  	s20 =	sadd.s32 $0x1000, s20;
	s18 =	sadd.s32 $0x100, s18  }
.LBB2_2:
0x36: {  	s21 =	sadd.s32 $0xFFFFFFFE, s19  }
0x37: {  	s22 =	smul.u32 $0xAB, s21;
	_ =	sdelay $0x1  }
0x38: {  	s22 =	sshrl.u32 s22, $0x9  }
0x39: {  	s22 =	sand.u32 $0x7F, s22  }
0x3a: {  	_ =	swait.ge [sflag:s15], $0x4000;
	s31 =	sadd.s32 $0xFFFFFFFD, s19;
	s22 =	smul.u32 $0x3, s22  }
0x3b: {  	[sflag:s15] =	ssyncset.done $0x0;
	p0 =	sgt.u32 s31, $0x15  }
.Ltmp4:
0x3c: {  	[sflag:s15] =	ssyncadd.s32 $0xFFFFC000;
	s22 =	ssub.s32 s21, s22;
	(pc) =	sbr.rel @!p0 .LBB2_3-.Ltmp4, $4  }
0x3d: {  	_ =	swait.ge [sflag:s15], $0x4000;
	s22 =	sand.u32 $0xFF, s22  }
0x3e: {  	[sflag:s15] =	ssyncset.done $0x0;
	s22 =	sshll.u32 s22, $0xF  }
0x3f: {  	[sflag:s15] =	ssyncadd.s32 $0xFFFFC000;
	s22 =	sor.u32 $0x1C00, s22  }
0x40: {  	[hbm4b:s20+s3] =	stream.linear.scatter [tilespmem:s22], [sflag:$0x2], $0x8000, $0x38;
	[tilespmem:$0x19C00] =	vst v63  }
0x41: {  	p0 =	sgt.u32 s21, $0x16  }
.Ltmp5:
0x42: {  	_ = 	snop;
	(pc) =	sbr.rel @p0 .LBB2_6-.Ltmp5, $4  }
.Ltmp6:
0x43: {  	_ = 	snop;
	(pc) =	sbr.rel @!p0 .LBB2_5-.Ltmp6, $4  }
0x44: {  	_ = 	snop  }
0x45: {  	_ = 	snop  }
0x46: {  	_ = 	snop  }
0x47: {  	_ = 	snop  }
.LBB2_8:
0x48: {  	_ =	sfence.sel $0x180000  }
0x49: {  	[bflag:$0x0] =	sbarrier.arrive $0xFFFF  }
0x4a: {  	p0 =	sne.s32 s0, $0x0;
	_ =	strace $0x90000047  }
0x4b: {  	s0 =	sadd.s32 @!p0 $0x100000, s1;
	[bflag:$0x2] =	sbarrier.arrive $0xFFFF  }
0x4c: {  	[sflag:s0] =	ssyncadd.tile.s32 @!p0 $0x1;
	_ =	shalt  }
.Lfunc_end2:
_tile_overlayer_lowered:
.L_overlay_start_2:
0x4d: {  	(tag) =	ssettag $0x2  }
0x4e: {  	s0 =	rddreg [dreg:$0x0];
	s2 =	stileid.u32  }
0x4f: {  	s1 =	rddreg [dreg:$0x1];
	p0 =	sne.s32 s2, $0x0  }
0x50: {  	s3 =	rddreg [dreg:$0x2];
	[bflag:$0x3] =	sbarrier.arrive $0xFFFF;
	s2 =	simm.s32 @!p0 $0x1C03  }
0x51: {  	[timem:s3], [sflag:s2] =	dma.local @!p0 [hbm:s0], s1  }
0x52: {  	s0 =	simm.s32 @!p0 $0x3  }
0x53: {  	_ =	swait.ge @!p0 [sflag:s0], s1  }
0x54: {  	s1 =	ssub.s32 @!p0 $0x0, s1;
	[sflag:s0] =	ssyncset.done @!p0 $0x0  }
0x55: {  	[sflag:s0] =	ssyncadd.s32 @!p0 s1  }
0x56: {  	[bflag:$0x3] =	sbarrier.arrive $0xFFFF  }
0x57: {  	_ =	shalt  }

</sc_bundles>
